<compile_context>
chip_gen: v7x
topology: tpu7x:2x2x1
jax: 0.10.2.dev20260603
libtpu: 0.0.44.dev20260713+nightly
codegen_flags: <defaults>
</compile_context>

<pallas_src>
import functools

import jax
import jax.numpy as jnp
from jax import lax
from jax.experimental import pallas as pl
from jax.experimental.pallas import tpu as pltpu
from jax.experimental.pallas import tpu_sc as plsc

_CL = 65536


def _proj_body(w_ref, b_ref, x_ref, o_ref):
    x = x_ref[...]
    w = w_ref[...]
    p = jnp.sum(x * w, axis=0, keepdims=True) + b_ref[0, 0]
    o_ref[...] = p.reshape(o_ref.shape)


def _project_table_tc(table_t, w_col, b):
    D, V = table_t.shape
    G = (V + _CL - 1) // _CL
    return pl.pallas_call(
        _proj_body,
        grid=(G,),
        in_specs=[
            pl.BlockSpec((D, 1), lambda i: (0, 0)),
            pl.BlockSpec((1, 1), lambda i: (0, 0)),
            pl.BlockSpec((D, _CL), lambda i: (0, i)),
        ],
        out_specs=pl.BlockSpec((1, 1, _CL), lambda i: (i, 0, 0)),
        out_shape=jax.ShapeDtypeStruct((G, 1, _CL), jnp.float32),
    )(w_col, b.reshape(1, 1), table_t)


def _gather_scalars(proj_flat, ids_flat):
    info = plsc.get_sparse_core_info()
    nc, ns = info.num_cores, info.num_subcores
    nw = nc * ns
    B = ids_flat.shape[0]
    assert B % nw == 0
    bpw = B // nw

    mesh = plsc.VectorSubcoreMesh(core_axis_name="c", subcore_axis_name="s")

    P = proj_flat.shape[0]
    share = P // ns

    @functools.partial(
        pl.kernel,
        mesh=mesh,
        out_type=jax.ShapeDtypeStruct((B,), jnp.float32),
        scratch_types=[
            pltpu.VMEM((bpw,), jnp.int32),
            pltpu.VMEM((bpw,), jnp.float32),
            pltpu.VMEM_SHARED((P,), jnp.float32),
            pltpu.SemaphoreType.DMA,
        ],
    )
    def gather_k(proj_hbm, idx_hbm, out_hbm, idx_v, val_v, shared, sem):
        wid = lax.axis_index("s") * nc + lax.axis_index("c")
        sid = lax.axis_index("s")
        base = wid * bpw
        cp = pltpu.async_copy(proj_hbm.at[pl.ds(sid * share, share)],
                              shared.at[pl.ds(sid * share, share)], sem)
        pltpu.sync_copy(idx_hbm.at[pl.ds(base, bpw)], idx_v)
        cp.wait()
        plsc.subcore_barrier()
        pltpu.sync_copy(shared.at[idx_v], val_v)
        pltpu.sync_copy(val_v, out_hbm.at[pl.ds(base, bpw)])

    return gather_k(proj_flat, ids_flat)


def kernel(input_ids, embed_weight, value_head_weight, value_head_bias):
    B, T = input_ids.shape
    proj = _project_table_tc(embed_weight.T, value_head_weight.reshape(-1, 1),
                             value_head_bias)
    ids_flat = input_ids.T.reshape(-1).astype(jnp.int32)
    vals = _gather_scalars(proj.reshape(-1), ids_flat)
    return jnp.transpose(vals.reshape(T, B, 1), (1, 0, 2))

# --- scband reference (transcript-rebuilt; emitter-appended) ---
"""Pipeline reference for scband-mock-value-21543555957046 (READ-ONLY COPY).

The authoritative reference and input builder live on the scoring server;
editing this copy changes nothing except your own understanding.
"""

import jax, jax.numpy as jnp
import numpy as np

VOCAB = 1000000
D_MODEL = 32
BATCH = 16384
SEQ = 50

def setup_inputs(seed: int = 0) -> dict:
    key = jax.random.key(seed)
    k_idx, k_emb, k_w, k_b = jax.random.split(key, 4)
    input_ids = jax.random.randint(k_idx, (BATCH, SEQ), 0, VOCAB, dtype=jnp.int64 if jax.config.jax_enable_x64 else jnp.int32)
    embed_weight = jax.random.normal(k_emb, (VOCAB, D_MODEL), dtype=jnp.float32)
    # nn.Linear(d_model, 1): weight [1, d_model], bias [1]
    bound = 1.0 / np.sqrt(D_MODEL)
    value_head_weight = jax.random.uniform(k_w, (1, D_MODEL), minval=-bound, maxval=bound, dtype=jnp.float32)
    value_head_bias = jax.random.uniform(k_b, (1,), minval=-bound, maxval=bound, dtype=jnp.float32)
    return {
        "input_ids": input_ids,
        "embed_weight": embed_weight,
        "value_head_weight": value_head_weight,
        "value_head_bias": value_head_bias,
    }

def reference(input_ids, embed_weight, value_head_weight, value_head_bias):
    # h = self.embed(input_ids)  -> gather rows from embedding table
    h = jnp.take(embed_weight, input_ids, axis=0)  # (B, T, d_model)
    # values = self.value_head(h) -> Linear: h @ W.T + b
    values = jnp.dot(h, value_head_weight.T) + value_head_bias  # (B, T, 1)
    # original forward returns (None, values, None); return the tensor output
    return values

if __name__ == "__main__":
    import jax
    _d = setup_inputs()
    print(jax.jit(kernel)(*tuple(_d.values())))

</pallas_src>

<mosaic_0001>
#map = affine_map<(d0, d1) -> (0)>
module attributes {stable_mosaic.version = 14 : i64} {
  func.func @gather_k(%arg0: i32, %arg1: i32, %arg2: memref<1048576xf32, #tpu.memory_space<hbm>>, %arg3: memref<819200xi32, #tpu.memory_space<hbm>>, %arg4: memref<819200xf32, #tpu.memory_space<hbm>>, %arg5: memref<25600xi32, #tpu.memory_space<vmem>>, %arg6: memref<25600xf32, #tpu.memory_space<vmem>>, %arg7: memref<1048576xf32, #tpu.memory_space<vmem_shared>>, %arg8: memref<!tpu.dma_semaphore, #tpu.memory_space<semaphore_mem>>) attributes {dimension_semantics = [#tpu.dimension_semantics<core_parallel>, #tpu.dimension_semantics<subcore_parallel>], iteration_bounds = array<i64: 2, 16>, scalar_prefetch = 0 : i64, scratch_operands = 4 : i64, tpu.core_type = #tpu.core_type<sc_vector_subcore>, window_params = [{transform_indices = #map}, {transform_indices = #map}, {transform_indices = #map}]} {
    %mul3A = arith.constant 2 : i32
    %mul3A_0 = arith.muli %arg1, %mul3A : i32
    %add3A = arith.addi %mul3A_0, %arg0 : i32
    %mul3A_1 = arith.constant 25600 : i32
    %mul3A_2 = arith.muli %add3A, %mul3A_1 : i32
    %mul3A_3 = arith.constant 65536 : i32
    %mul3A_4 = arith.muli %arg1, %mul3A_3 : i32
    %mul3A_5 = arith.constant 65536 : i32
    %mul3A_6 = arith.muli %arg1, %mul3A_5 : i32
    %dma_start3A = tpu.memref_slice %arg7[%mul3A_6] : memref<1048576xf32, #tpu.memory_space<vmem_shared>> -> memref<65536xf32, #tpu.memory_space<vmem_shared>>
    %dma_start3A_7 = tpu.memref_slice %arg2[%mul3A_4] : memref<1048576xf32, #tpu.memory_space<hbm>> -> memref<65536xf32, #tpu.memory_space<hbm>>
    tpu.enqueue_dma source(%dma_start3A_7 : memref<65536xf32, #tpu.memory_space<hbm>>) target(%dma_start3A : memref<65536xf32, #tpu.memory_space<vmem_shared>>) target_semaphore(%arg8 : memref<!tpu.dma_semaphore, #tpu.memory_space<semaphore_mem>>)
    "tpu.region"() ({
      %run_scoped3A = tpu.sem_alloc : memref<!tpu.dma_semaphore, #tpu.memory_space<semaphore_mem>>
      %dma_start3A_9 = tpu.memref_slice %arg3[%mul3A_2] : memref<819200xi32, #tpu.memory_space<hbm>> -> memref<25600xi32, #tpu.memory_space<hbm>>
      %dma_start3A_10 = tpu.memref_slice %arg3[%mul3A_2] : memref<819200xi32, #tpu.memory_space<hbm>> -> memref<25600xi32, #tpu.memory_space<hbm>>
      tpu.enqueue_dma source(%dma_start3A_10 : memref<25600xi32, #tpu.memory_space<hbm>>) target(%arg5 : memref<25600xi32, #tpu.memory_space<vmem>>) target_semaphore(%run_scoped3A : memref<!tpu.dma_semaphore, #tpu.memory_space<semaphore_mem>>)
      %dma_wait3A_11 = tpu.memref_slice %arg3[%mul3A_2] : memref<819200xi32, #tpu.memory_space<hbm>> -> memref<25600xi32, #tpu.memory_space<hbm>>
      %dma_wait3A_12 = tpu.memref_slice %arg3[%mul3A_2] : memref<819200xi32, #tpu.memory_space<hbm>> -> memref<25600xi32, #tpu.memory_space<hbm>>
      tpu.wait_dma2 semaphore(%run_scoped3A : memref<!tpu.dma_semaphore, #tpu.memory_space<semaphore_mem>>) src(%dma_wait3A_12 : memref<25600xi32, #tpu.memory_space<hbm>>) dst(%arg5 : memref<25600xi32, #tpu.memory_space<vmem>>)
      tpu.yield
    }) : () -> ()
    %dma_wait3A = tpu.memref_slice %arg7[%mul3A_6] : memref<1048576xf32, #tpu.memory_space<vmem_shared>> -> memref<65536xf32, #tpu.memory_space<vmem_shared>>
    %dma_wait3A_8 = tpu.memref_slice %arg2[%mul3A_4] : memref<1048576xf32, #tpu.memory_space<hbm>> -> memref<65536xf32, #tpu.memory_space<hbm>>
    tpu.wait_dma2 semaphore(%arg8 : memref<!tpu.dma_semaphore, #tpu.memory_space<semaphore_mem>>) src(%dma_wait3A_8 : memref<65536xf32, #tpu.memory_space<hbm>>) dst(%dma_wait3A : memref<65536xf32, #tpu.memory_space<vmem_shared>>)
    %barrier3A = arith.constant 0 : index
    tpu.barrier barrier_id(%barrier3A)
    "tpu.region"() ({
      %run_scoped3A = tpu.sem_alloc : memref<!tpu.dma_semaphore, #tpu.memory_space<semaphore_mem>>
      %dma_start3A_9 = arith.constant 0 : i32
      %dma_start3A_10 = tpu.memref_slice %arg7[%dma_start3A_9] : memref<1048576xf32, #tpu.memory_space<vmem_shared>> -> memref<1048576xf32, #tpu.memory_space<vmem_shared>>
      tpu.enqueue_indirect_dma source(%dma_start3A_10 : memref<1048576xf32, #tpu.memory_space<vmem_shared>>) target(%arg6 : memref<25600xf32, #tpu.memory_space<vmem>>) offsets(%arg5 : memref<25600xi32, #tpu.memory_space<vmem>>) semaphore(%run_scoped3A : memref<!tpu.dma_semaphore, #tpu.memory_space<semaphore_mem>>)
      %dma_wait3A_11 = arith.constant 0 : i32
      %dma_wait3A_12 = tpu.memref_slice %arg7[%dma_wait3A_11] : memref<1048576xf32, #tpu.memory_space<vmem_shared>> -> memref<1048576xf32, #tpu.memory_space<vmem_shared>>
      tpu.wait_indirect_dma semaphore(%run_scoped3A : memref<!tpu.dma_semaphore, #tpu.memory_space<semaphore_mem>>) src(%dma_wait3A_12 : memref<1048576xf32, #tpu.memory_space<vmem_shared>>) dst(%arg6 : memref<25600xf32, #tpu.memory_space<vmem>>)
      tpu.yield
    }) : () -> ()
    "tpu.region"() ({
      %run_scoped3A = tpu.sem_alloc : memref<!tpu.dma_semaphore, #tpu.memory_space<semaphore_mem>>
      %dma_start3A_9 = tpu.memref_slice %arg4[%mul3A_2] : memref<819200xf32, #tpu.memory_space<hbm>> -> memref<25600xf32, #tpu.memory_space<hbm>>
      %dma_start3A_10 = tpu.memref_slice %arg4[%mul3A_2] : memref<819200xf32, #tpu.memory_space<hbm>> -> memref<25600xf32, #tpu.memory_space<hbm>>
      tpu.enqueue_dma source(%arg6 : memref<25600xf32, #tpu.memory_space<vmem>>) target(%dma_start3A_10 : memref<25600xf32, #tpu.memory_space<hbm>>) target_semaphore(%run_scoped3A : memref<!tpu.dma_semaphore, #tpu.memory_space<semaphore_mem>>)
      %dma_wait3A_11 = tpu.memref_slice %arg4[%mul3A_2] : memref<819200xf32, #tpu.memory_space<hbm>> -> memref<25600xf32, #tpu.memory_space<hbm>>
      %dma_wait3A_12 = tpu.memref_slice %arg4[%mul3A_2] : memref<819200xf32, #tpu.memory_space<hbm>> -> memref<25600xf32, #tpu.memory_space<hbm>>
      tpu.wait_dma2 semaphore(%run_scoped3A : memref<!tpu.dma_semaphore, #tpu.memory_space<semaphore_mem>>) src(%arg6 : memref<25600xf32, #tpu.memory_space<vmem>>) dst(%dma_wait3A_12 : memref<25600xf32, #tpu.memory_space<hbm>>)
      tpu.yield
    }) : () -> ()
    return
  }
}

module attributes {stable_mosaic.version = 14 : i64} {
  func.func @_proj_body(%arg0: i32, %arg1: memref<32x1xf32, #tpu.memory_space<vmem>>, %arg2: memref<1x1xf32, #tpu.memory_space<vmem>>, %arg3: memref<32x65536xf32, #tpu.memory_space<vmem>>, %arg4: memref<1x1x65536xf32, #tpu.memory_space<vmem>>) attributes {dimension_semantics = [#tpu.dimension_semantics<arbitrary>], iteration_bounds = array<i64: 16>, scalar_prefetch = 0 : i64, scratch_operands = 0 : i64, tpu.core_type = #tpu.core_type<tc>, window_params = [{pipeline_mode = #tpu.pipeline_mode<synchronous>, transform_indices = @transform_0, window_bounds = array<i64: 32, 1>}, {pipeline_mode = #tpu.pipeline_mode<synchronous>, transform_indices = @transform_1, window_bounds = array<i64: 1, 1>}, {transform_indices = @transform_2, window_bounds = array<i64: 32, 65536>}, {transform_indices = @transform_3, window_bounds = array<i64: 1, 1, 65536>}]} {
    %get3A = arith.constant 0 : index
    %get3A_0 = arith.constant 0 : index
    %get3A_1 = vector.load %arg3[%get3A, %get3A_0] : memref<32x65536xf32, #tpu.memory_space<vmem>>, vector<32x65536xf32>
    %get3A_2 = arith.constant 0 : index
    %get3A_3 = arith.constant 0 : index
    %get3A_4 = vector.load %arg1[%get3A_2, %get3A_3] : memref<32x1xf32, #tpu.memory_space<vmem>>, vector<32x1xf32>
    %mul3A = vector.broadcast %get3A_4 : vector<32x1xf32> to vector<32x65536xf32>
    %mul3A_5 = arith.mulf %get3A_1, %mul3A : vector<32x65536xf32>
    %reduce_sum3A = arith.constant dense<0.000000e+00> : vector<65536xf32>
    %reduce_sum3A_6 = vector.multi_reduction <add>, %mul3A_5, %reduce_sum3A [0] : vector<32x65536xf32> to vector<65536xf32>
    %broadcast_in_dim3A = vector.shape_cast %reduce_sum3A_6 : vector<65536xf32> to vector<1x65536xf32>
    %get3A_7 = arith.constant 0 : index
    %get3A_8 = arith.constant 0 : index
    %get3A_9 = vector.load %arg2[%get3A_7, %get3A_8] : memref<1x1xf32, #tpu.memory_space<vmem>>, vector<1x1xf32>
    %get3A_10 = vector.extract %get3A_9[0, 0] : f32 from vector<1x1xf32>
    %add3A = vector.broadcast %get3A_10 : f32 to vector<1x65536xf32>
    %add3A_11 = arith.addf %broadcast_in_dim3A, %add3A : vector<1x65536xf32>
    %reshape3A = vector.shape_cast %add3A_11 : vector<1x65536xf32> to vector<1x1x65536xf32>
    %swap3A = arith.constant 0 : index
    %swap3A_12 = arith.constant 0 : index
    %swap3A_13 = arith.constant 0 : index
    %swap3A_14 = vector.load %arg4[%swap3A, %swap3A_12, %swap3A_13] : memref<1x1x65536xf32, #tpu.memory_space<vmem>>, vector<1x1x65536xf32>
    tpu.vector_store %arg4[%swap3A, %swap3A_12, %swap3A_13], %reshape3A {strides = array<i32>} : memref<1x1x65536xf32, #tpu.memory_space<vmem>>, vector<1x1x65536xf32>,
    return
  }
  func.func @transform_0(%arg0: i32) -> (i32, i32) {
    %c0_i32 = arith.constant 0 : i32
    %c0_i32_0 = arith.constant 0 : i32
    %c0_i32_1 = arith.constant 0 : i32
    return %c0_i32, %c0_i32_0 : i32, i32
  }
  func.func @transform_1(%arg0: i32) -> (i32, i32) {
    %c0_i32 = arith.constant 0 : i32
    %c0_i32_0 = arith.constant 0 : i32
    %c0_i32_1 = arith.constant 0 : i32
    return %c0_i32, %c0_i32_0 : i32, i32
  }
  func.func @transform_2(%arg0: i32) -> (i32, i32) {
    %c0_i32 = arith.constant 0 : i32
    %c0_i32_0 = arith.constant 0 : i32
    return %c0_i32, %arg0 : i32, i32
  }
  func.func @transform_3(%arg0: i32) -> (i32, i32, i32) {
    %c0_i32 = arith.constant 0 : i32
    %c0_i32_0 = arith.constant 0 : i32
    %c0_i32_1 = arith.constant 0 : i32
    return %arg0, %c0_i32, %c0_i32_0 : i32, i32, i32
  }
}

</mosaic_0001>

<sc_bundles>
// kernel: kernel.4.cloned.1.call-start
scs
__scs_entry_jumppad:
0x0: {  	(pc) =	sbr.rel $0x88, $3  }
0x1: {  	(tag) =	ssettag $0x0;
	lr =	simm.s32 $0x1  }
0x2: {  	[smem:$0x3F9D] =	sst lr;
	_ =	strace $0xD0000000  }
0x3: {  	_ = 	snop  }
0x4: {  	_ = 	snop  }
0x5: {  	_ = 	snop  }
0x6: {  	_ = 	snop  }
0x7: {  	_ = 	snop  }
__scs_overlays_trampoline_lowered:
0x8: {  	[smem:$0x3FAC] =	sst s0  }
0x9: {  	[smem:$0x3FAD] =	sst s1  }
0xa: {  	[smem:$0x3FAE] =	sst s2  }
0xb: {  	[smem:$0x3FAF] =	sst s3  }
0xc: {  	[smem:$0x3FB0] =	sst s4  }
0xd: {  	[smem:$0x3FB1] =	sst s5  }
0xe: {  	[smem:$0x3FB2] =	sst s6  }
0xf: {  	[smem:$0x3FB3] =	sst s7  }
0x10: {  	[smem:$0x3FB4] =	sst s8  }
0x11: {  	[smem:$0x3FB5] =	sst s9;
	s0 =	simm.s32 @!p0 $0x0  }
0x12: {  	s1 =	sld [smem:$0x3F9B];
	s0 =	simm.s32 @p0 $0x1  }
0x13: {  	[smem:$0x3FB6] =	sst s0;
	s0 =	simm.s32 @!p1 $0x0  }
0x14: {  	s2 =	sld [smem:$0x3F9A];
	s0 =	simm.s32 @p1 $0x1  }
0x15: {  	[smem:$0x3FB7] =	sst s0;
	s0 =	simm.s32 @!p2 $0x0  }
0x16: {  	s3 =	sld [smem:$0x3FDB];
	s0 =	simm.s32 @p2 $0x1  }
0x17: {  	s4 =	simm.s32 $0x1BF5;
	[smem:$0x3FB9] =	sst s0  }
0x18: {  	s0 =	sld [smem:$0x3F9C];
	_ =	swait.ge [sflag:s4], $0x0  }
0x19: {  	s7 =	sld [smem:$0x3F9D]  }
0x1a: {  	s8 =	sadd.s32 $0xFFFFE003, lr  }
0x1b: {  	s9 =	sadd.s32 $0xFFFFFEF7, lr;
	s5 =	simm.s32 $0xFFFFFFFF;
	p2 =	slt.u32 s8, $0xFFFFF086  }
0x1c: {  	p1 =	slt.u32 s9, $0xF7A;
	s5 =	simm.s32 @!p2 $0x0  }
0x1d: {  	s5 =	simm.s32 @p1 $0x1;
	p0 =	seq.s32 s7, s2  }
0x1e: {  	s7 =	smul.u32 @!p0 $0xF7A, s2;
	p2 =	seq.s32 @!p0 s5, $0x0  }
0x1f: {  	s9 =	smul.u32 $0xF7A, s1;
	s8 =	simm.s32 @!p0 $0x1BF5;
	p2 =	por !p2, p0  }
0x20: {  	[sflag:s8] =	ssyncset.s32 @!p0 $0xFFFFF086;
	s6 =	sadd.s32 @!p0 s3, s7;
	s7 =	simm.s32 @!p0 $0x108  }
0x21: {  	s3 =	sadd.s32 s3, s9;
	s6 =	sadd.s32 @!p0 $0x88, s6;
	s7 =	simm.s32 @p2 $0x1082  }
0x22: {  	[simem:s7], [sflag:s8] =	dma.local @!p0 [hbm:s6], $0xF7A  }
0x23: {  	s9 =	sor.u32 $0xD0000000, s2;
	s6 =	simm.s32 $0x108;
	_ =	swait.ge @!p0 [sflag:s8], $0x0  }
0x24: {  	s3 =	sadd.s32 $0x88, s3;
	s6 =	simm.s32 @!p1 $0x1082;
	[sflag:s4] =	ssyncset.s32 $0xFFFFF086  }
0x25: {  	[simem:s6], [sflag:s4] =	dma.local [hbm:s3], $0xF7A  }
0x26: {  	[smem:$0x3F9D] =	sst s1;
	(tag) =	ssettag s2;
	_ =	strace s9  }
0x27: {  	s1 =	sld [smem:$0x3FAD]  }
0x28: {  	s2 =	sld [smem:$0x3FAE]  }
0x29: {  	s4 =	sld [smem:$0x3FB0]  }
0x2a: {  	p0 =	seq.s32 s5, $0x0;
	s5 =	sld [smem:$0x3FB1]  }
0x2b: {  	s6 =	sld [smem:$0x3FB2]  }
0x2c: {  	s7 =	sld [smem:$0x3FB3]  }
0x2d: {  	s3 =	simm.s32 $0x108;
	s8 =	sld [smem:$0x3FB4]  }
0x2e: {  	s3 =	simm.s32 @!p0 $0x1082;
	s9 =	sld [smem:$0x3FB5]  }
0x2f: {  	lr =	sadd.s32 s0, s3;
	s0 =	sld [smem:$0x3FAC]  }
0x30: {  	s3 =	sld [smem:$0x3FAF]  }
0x31: {  	[smem:$0x3FB8] =	sst s10  }
0x32: {  	s10 =	sld [smem:$0x3FB6];
	_ =	sdelay $0x3  }
0x33: {  	p0 =	seq.s32 s10, $0x1;
	s10 =	sld [smem:$0x3FB8];
	_ =	sdelay $0x3  }
0x34: {  	[smem:$0x3FB8] =	sst s10  }
0x35: {  	s10 =	sld [smem:$0x3FB7];
	_ =	sdelay $0x3  }
0x36: {  	p1 =	seq.s32 s10, $0x1;
	s10 =	sld [smem:$0x3FB8];
	_ =	sdelay $0x3  }
0x37: {  	[smem:$0x3FB8] =	sst s10  }
0x38: {  	s10 =	sld [smem:$0x3FB9]  }
0x39: {  	_ = 	snop;
	(pc) =	sbr.ind lr, $3  }
0x3a: {  	_ = 	snop  }
0x3b: {  	_ = 	snop  }
0x3c: {  	p2 =	seq.s32 s10, $0x1;
	s10 =	sld [smem:$0x3FB8]  }
0x3d: {  	_ =	shalt  }
0x3e: {  	_ =	shalt  }
0x3f: {  	_ =	shalt  }
0x40: {  	_ =	shalt  }
0x41: {  	_ =	shalt  }
0x42: {  	_ =	shalt  }
0x43: {  	_ =	shalt  }
0x44: {  	_ =	shalt  }
0x45: {  	_ =	shalt  }
0x46: {  	_ =	shalt  }
0x47: {  	_ =	shalt  }
0x48: {  	_ =	shalt  }
0x49: {  	_ =	shalt  }
0x4a: {  	_ =	shalt  }
0x4b: {  	_ =	shalt  }
0x4c: {  	_ =	shalt  }
0x4d: {  	_ =	shalt  }
0x4e: {  	_ =	shalt  }
0x4f: {  	_ =	shalt  }
0x50: {  	_ =	shalt  }
0x51: {  	_ =	shalt  }
0x52: {  	_ =	shalt  }
0x53: {  	_ =	shalt  }
0x54: {  	_ =	shalt  }
0x55: {  	_ =	shalt  }
0x56: {  	_ =	shalt  }
0x57: {  	_ =	shalt  }
0x58: {  	_ =	shalt  }
0x59: {  	_ =	shalt  }
0x5a: {  	_ =	shalt  }
0x5b: {  	_ =	shalt  }
0x5c: {  	_ =	shalt  }
0x5d: {  	_ =	shalt  }
0x5e: {  	_ =	shalt  }
0x5f: {  	_ =	shalt  }
0x60: {  	_ =	shalt  }
0x61: {  	_ =	shalt  }
0x62: {  	_ =	shalt  }
0x63: {  	_ =	shalt  }
0x64: {  	_ =	shalt  }
0x65: {  	_ =	shalt  }
0x66: {  	_ =	shalt  }
0x67: {  	_ =	shalt  }
0x68: {  	_ =	shalt  }
0x69: {  	_ =	shalt  }
0x6a: {  	_ =	shalt  }
0x6b: {  	_ =	shalt  }
0x6c: {  	_ =	shalt  }
0x6d: {  	_ =	shalt  }
0x6e: {  	_ =	shalt  }
0x6f: {  	_ =	shalt  }
0x70: {  	_ =	shalt  }
0x71: {  	_ =	shalt  }
0x72: {  	_ =	shalt  }
0x73: {  	_ =	shalt  }
0x74: {  	_ =	shalt  }
0x75: {  	_ =	shalt  }
0x76: {  	_ =	shalt  }
0x77: {  	_ =	shalt  }
0x78: {  	_ =	shalt  }
0x79: {  	_ =	shalt  }
0x7a: {  	_ =	shalt  }
0x7b: {  	_ =	shalt  }
0x7c: {  	_ =	shalt  }
0x7d: {  	_ =	shalt  }
0x7e: {  	_ =	shalt  }
0x7f: {  	_ =	shalt  }
0x80: {  	_ =	shalt  }
0x81: {  	_ =	shalt  }
0x82: {  	_ =	shalt  }
0x83: {  	_ =	shalt  }
0x84: {  	_ =	shalt  }
0x85: {  	_ =	shalt  }
0x86: {  	_ =	shalt  }
0x87: {  	_ =	shalt  }
.Lfunc_end0:
.L_simem_size_0:
called_computation_lowered:
.L_overlay_start_0:
0x88: {  	s2 =	sld [smem:$0x3FD9]  }
0x89: {  	s3 =	sld [smem:$0x3FFE];
	_ =	sdelay $0x1  }
0x8a: {  	s1 =	srdreg.scid  }
0x8b: {  	s0 =	sand.u32 $0x1, s1  }
0x8c: {  	s17 =	sshll.u32 s0, $0xA;
	s2 =	sadd.s32 s3, s2  }
0x8d: {  	s2 =	sadd.s32 s2, s17  }
0x8e: {  	[smem:$0x3FC4] =	sst s2  }
0x8f: {  	_ = 	snop  }
0x90: {  	s2 =	sld [smem:$0x3FD0];
	(tm) =	ssettm $0x1  }
0x91: {  	s18 =	sld [smem:$0x3FFB];
	_ =	sdelay $0x3  }
0x92: {  	_ =	strace s18  }
0x93: {  	s3 =	sld [smem:$0x3FFC];
	_ =	sdelay $0x3  }
0x94: {  	_ =	strace s3  }
0x95: {  	s3 =	sld [smem:$0x3FFD];
	_ =	sdelay $0x3  }
0x96: {  	_ =	strace s3  }
0x97: {  	_ =	strace $0x8FFFFFFF  }
0x98: {  	s19 =	sld [smem:$0x3FDB];
	_ =	sdelay $0x1  }
0x99: {  	s4 =	simm.s32 $_scs_section_size  }
0x9a: {  	s5 =	simm.s32 $_size__tile_overlayer_lowered;
	s6 =	simm.s32 $_tile_overlayer_lowered  }
0x9b: {  	s22 =	simm.s32 $0x1BFF;
	s21 =	sshll.u32 s6, $0x1;
	s3 =	sadd.s32 s4, s19  }
0x9c: {  	s7 =	simm.s32 $0x0;
	s20 =	sshll.u32 s5, $0x1;
	s5 =	sadd.s32 s21, s3  }
0x9d: {  	[timem:s7], [sflag:s22] =	dma.local [hbm:s5], s20  }
0x9e: {  	_ =	swait.ge [sflag:s22], s20  }
0x9f: {  	s4 =	ssub.s32 $0x0, s20;
	[sflag:s22] =	ssyncset.done $0x0  }
0xa0: {  	[sflag:s22] =	ssyncadd.s32 s4;
	_ =	sdelay $0x1  }
0xa1: {  	s23 =	simm.s32 $0x1B8B  }
0xa2: {  	_ =	swait.ge [sflag:s23], $0x1  }
0xa3: {  	[sflag:s23] =	ssyncset.done $0x0  }
0xa4: {  	s25 =	simm.s32 $0x1B8E;
	s24 =	sld [smem:$0x3FFE];
	[sflag:s23] =	ssyncadd.s32 $0xFFFFFFFF  }
0xa5: {  	s26 =	simm.s32 $execute0_lowered;
	[smem:$0x3FD2] =	sst s25  }
0xa6: {  	s5 =	sshll.u32 s26, $0x1;
	_ =	strace $0x80000046;
	[dreg:$0x1] =	wrdreg $0xFFFFFFFF  }
0xa7: {  	s28 =	simm.s32 $_size_execute0_lowered;
	s3 =	sadd.s32 s3, s5;
	[dreg:$0x0] =	wrdreg $0x0  }
0xa8: {  	s5 =	sshll.u32 s28, $0x1;
	[dreg:$0x2] =	wrdreg s3  }
0xa9: {  	[dreg:$0x3] =	wrdreg s5  }
0xaa: {  	[dreg:$0x4] =	wrdreg $0xC0  }
0xab: {  	_ =	task [dreg:s7], $0x5FFFF  }
0xac: {  	[dreg:$0x1] =	wrdreg $0xFFFFFFFF  }
0xad: {  	[dreg:$0x0] =	wrdreg $0x60  }
0xae: {  	[dreg:$0x2] =	wrdreg s24  }
0xaf: {  	[dreg:$0x3] =	wrdreg s2  }
0xb0: {  	[dreg:$0x4] =	wrdreg $0xC8000  }
0xb1: {  	[dreg:$0x5] =	wrdreg $0x9  }
0xb2: {  	_ =	task.clear_ibuf [dreg:s7], $0x6FFFF;
	_ =	strace $0x90000046  }
0xb3: {  	s29 =	simm.s32 $0x9;
	_ =	strace $0x80000048  }
0xb4: {  	_ =	swait.ge [sflag:s29], $0x1  }
0xb5: {  	[sflag:s29] =	ssyncadd.s32 $0xFFFFFFFF  }
0xb6: {  	_ =	strace $0x90000048  }
0xb7: {  	_ =	sfence  }
0xb8: {  	s30 =	sld [smem:$0x0];
	_ =	sdelay $0x2  }
0xb9: {  	s31 =	sshll.u32 s1, $0xD;
	s1 =	sshrl.u32 s1, $0x2  }
0xba: {  	s3 =	sand.u32 $0x4000, s31;
	s1 =	sadd.s32 s1, s30  }
0xbb: {  	s0 =	sor.u32 s3, s0;
	s1 =	sshll.u32 s1, $0x11  }
0xbc: {  	s0 =	sor.u32 s1, s0  }
0xbd: {  	s0 =	sadd.s32 $0x8F2B, s0  }
0xbe: {  	[sflag:s0] =	ssyncadd.remote.s32 $0x1  }
0xbf: {  	_ =	sfence.sel $0xFFFF  }
0xc0: {  	[dreg:$0x0] =	wrdreg $0xFFFFFFFF;
	(pc) =	sbr.abs _section_cstart, $3  }
0xc1: {  	[dreg:$0x1] =	wrdreg $0xFFFFFFFF  }
0xc2: {  	_ =	task.clear_ibuf [dreg:s7], $0x2FFFF;
	_ =	strace $0x9FFFFFFF  }
0xc3: {  	(tm) =	ssettm $0x7FFFFFFF  }
tec
execute0_lowered:
.L_overlay_start_1:
0x0: {  	(tag) =	ssettag $0x1  }
0x1: {  	s4 =	rddreg [dreg:$0x0]  }
0x2: {  	s11 =	rddreg [dreg:$0x1];
	s0 =	stileid.u32  }
0x3: {  	s1 =	srdreg.scid;
	s2 =	rddreg [dreg:$0x2];
	s3 =	simm.s32 $0x0  }
0x4: {  	s10 =	sand.u32 $0x1, s1;
	s5 =	sshll.u32 s0, $0x1;
	s1 =	rddreg [dreg:$0x3]  }
0x5: {  	[smem:$0x7FF] =	sst s3;
	s6 =	sshll.u32 s0, $0xD;
	s5 =	sor.u32 s10, s5  }
0x6: {  	s30 =	sshll.u32 s0, $0x10;
	s7 =	sshll.u32 s0, $0x6;
	s12 =	smul.u32 $0xC80, s5  }
0x7: {  	_ =	strace $0x80000047;
	s28 =	sadd.s32 s6, s4;
	s8 =	sadd.s32 s30, s2  }
0x8: {  	s5 =	sor.u32 $0x1C01, s7;
	s8 =	sshrl.u32 s8, $0x3;
	s29 =	sadd.s32 s12, s4  }
0x9: {  	s7 =	simm.s32 $0x2;
	s4 =	sadd.s32 $0x19600, s28;
	s6 =	sadd.s32 $0x600, s29  }
0xa: {  	[spmem:s8], [sflag:s5] =	dma.local [hbm:s4], $0x2000  }
0xb: {  	[tilespmem:s3], [sflag:$0x2] =	stream.linear.gather [hbm4b:s6+s3], $0x6400, $0x38;
	[tilespmem:$0x1C800] =	vst v63  }
0xc: {  	_ =	swait.ge [sflag:s7], $0x6400  }
0xd: {  	[sflag:s7] =	ssyncset.done $0x0  }
0xe: {  	s9 =	simm.s32 $0x1;
	[sflag:s7] =	ssyncadd.s32 $0xFFFF9C00  }
0xf: {  	s13 =	ssub.s32 $0x2, s10;
	_ =	swait.ge [sflag:s9], $0x2000  }
0x10: {  	s14 =	sshrl.u32 s13, $0x1;
	[sflag:s9] =	ssyncset.done $0x0  }
0x11: {  	s13 =	ssub.s32 s13, s14;
	[sflag:s9] =	ssyncadd.s32 $0xFFFFE000  }
0x12: {  	s10 =	simm.s32 $0x6400;
	s31 =	smax.u32 s13, $0x1;
	[bflag:$0x0] =	sbarrier.arrive $0xFFFF  }
0x13: {  	[tilespmem:s10], [sflag:$0x2] =	stream.indirect.gather [spmem:s2], $0x1, s3, s10, $0xb8;
	[tilespmem:$0x1C800] =	vst v63  }
0x14: {  	p0 =	sne.s32 s31, $0x1;
	_ =	swait.ge [sflag:s7], $0x6400  }
.Ltmp0:
0x15: {  	[sflag:s7] =	ssyncset.done $0x0;
	(pc) =	sbr.rel @!p0 .LBB2_2-.Ltmp0, $4  }
0x16: {  	s11 =	sadd.s32 s11, s12;
	[sflag:s7] =	ssyncadd.s32 $0xFFFF9C00  }
0x17: {  	[hbm4b:s11+s3] =	stream.linear.scatter [tilespmem:s10], [sflag:$0x2], $0x6400, $0x38;
	[tilespmem:$0x1C800] =	vst v63  }
0x18: {  	_ =	swait.ge [sflag:s7], $0x6400  }
0x19: {  	s12 =	sadd.s32 $0xFFFFFFFF, s31;
	[sflag:s7] =	ssyncset.done $0x0  }
.LBB2_1:
0x1a: {  	p0 =	sne.s32 s12, $0x1;
	s12 =	sadd.s32 $0xFFFFFFFF, s12;
	[sflag:s7] =	ssyncadd.s32 $0xFFFF9C00  }
0x1b: {  	[spmem:s8], [sflag:s5] =	dma.local [hbm:s4], $0x2000  }
0x1c: {  	[tilespmem:s3], [sflag:$0x2] =	stream.linear.gather [hbm4b:s6+s3], $0x6400, $0x38;
	[tilespmem:$0x1C800] =	vst v63  }
0x1d: {  	_ =	swait.ge [sflag:s7], $0x6400  }
0x1e: {  	[sflag:s7] =	ssyncset.done $0x0  }
0x1f: {  	[sflag:s7] =	ssyncadd.s32 $0xFFFF9C00  }
0x20: {  	_ =	swait.ge [sflag:s9], $0x2000  }
0x21: {  	[sflag:s9] =	ssyncset.done $0x0  }
0x22: {  	[sflag:s9] =	ssyncadd.s32 $0xFFFFE000  }
0x23: {  	[bflag:$0x0] =	sbarrier.arrive $0xFFFF  }
0x24: {  	[tilespmem:s10], [sflag:$0x2] =	stream.indirect.gather [spmem:s2], $0x1, s3, s10, $0xb8;
	[tilespmem:$0x1C800] =	vst v63  }
0x25: {  	_ =	swait.ge [sflag:s7], $0x6400  }
.Ltmp1:
0x26: {  	[sflag:s7] =	ssyncset.done $0x0;
	(pc) =	sbr.rel @p0 .LBB2_1-.Ltmp1, $4  }
0x27: {  	[sflag:s7] =	ssyncadd.s32 $0xFFFF9C00  }
0x28: {  	[hbm4b:s11+s3] =	stream.linear.scatter [tilespmem:s10], [sflag:$0x2], $0x6400, $0x38;
	[tilespmem:$0x1C800] =	vst v63  }
0x29: {  	_ =	swait.ge [sflag:s7], $0x6400  }
0x2a: {  	[sflag:s7] =	ssyncset.done $0x0  }
.LBB2_2:
0x2b: {  	[sflag:s7] =	ssyncadd.s32 $0xFFFF9C00  }
0x2c: {  	_ =	sfence.sel $0x180000  }
0x2d: {  	[bflag:$0x0] =	sbarrier.arrive $0xFFFF  }
0x2e: {  	p0 =	sne.s32 s0, $0x0;
	_ =	strace $0x90000047  }
0x2f: {  	s0 =	sadd.s32 @!p0 $0x100000, s1;
	[bflag:$0x2] =	sbarrier.arrive $0xFFFF  }
0x30: {  	[sflag:s0] =	ssyncadd.tile.s32 @!p0 $0x1;
	_ =	shalt  }
.Lfunc_end2:
_tile_overlayer_lowered:
.L_overlay_start_2:
0x31: {  	(tag) =	ssettag $0x2  }
0x32: {  	s0 =	rddreg [dreg:$0x0];
	s2 =	stileid.u32  }
0x33: {  	s1 =	rddreg [dreg:$0x1];
	p0 =	sne.s32 s2, $0x0  }
0x34: {  	s3 =	rddreg [dreg:$0x2];
	[bflag:$0x3] =	sbarrier.arrive $0xFFFF;
	s2 =	simm.s32 @!p0 $0x1C02  }
0x35: {  	[timem:s3], [sflag:s2] =	dma.local @!p0 [hbm:s0], s1  }
0x36: {  	s0 =	simm.s32 @!p0 $0x2  }
0x37: {  	_ =	swait.ge @!p0 [sflag:s0], s1  }
0x38: {  	s1 =	ssub.s32 @!p0 $0x0, s1;
	[sflag:s0] =	ssyncset.done @!p0 $0x0  }
0x39: {  	[sflag:s0] =	ssyncadd.s32 @!p0 s1  }
0x3a: {  	[bflag:$0x3] =	sbarrier.arrive $0xFFFF  }
0x3b: {  	_ =	shalt  }

</sc_bundles>
